<compile_context>
chip_gen: v7x
topology: tpu7x:2x2x1
jax: 0.10.2.dev20260603
libtpu: 0.0.44.dev20260713+nightly
codegen_flags: <defaults>
</compile_context>

<pallas_src>
import functools

import jax
import jax.numpy as jnp
from jax import lax
from jax.experimental import pallas as pl
from jax.experimental.pallas import tpu as pltpu
from jax.experimental.pallas import tpu_sc as plsc

TILE = 512
_NW = 32


def _meta_body(nroute, x_ref, wr_ref, bias_ref, scores_ref, dest_ref, te_ref):
    logits = jnp.dot(x_ref[...], wr_ref[...]) * bias_ref[...]
    p = jax.nn.sigmoid(logits)
    t, e = p.shape
    ii = lax.broadcasted_iota(jnp.int32, (t, e), 1)
    m1 = jnp.max(p, axis=1, keepdims=True)
    first1 = jnp.min(jnp.where(p == m1, ii, e), axis=1, keepdims=True)
    sel1 = ii == first1
    p2 = jnp.where(sel1, -1.0, p)
    m2 = jnp.max(p2, axis=1, keepdims=True)
    first2 = jnp.min(jnp.where(p2 == m2, ii, e), axis=1, keepdims=True)
    sel2 = ii == first2
    denom = m1 + m2
    scores_ref[...] = jnp.concatenate([m1 / denom, m2 / denom], axis=1)

    oh = jnp.concatenate([sel1, sel2], axis=0).astype(jnp.float32)
    pairs = 2 * t
    nblk = pairs // 128
    oh3 = oh.reshape(nblk, 128, e)
    r_i = lax.broadcasted_iota(jnp.int32, (128, 128), 0)
    c_i = lax.broadcasted_iota(jnp.int32, (128, 128), 1)
    t128 = (r_i >= c_i).astype(jnp.bfloat16)
    t128b = jnp.broadcast_to(t128[None], (nblk, 128, 128))
    within = lax.dot_general(
        t128b, oh3.astype(jnp.bfloat16), (((2,), (1,)), ((0,), (0,))),
        preferred_element_type=jnp.float32)
    sums = within[:, 127, :]
    rb = lax.broadcasted_iota(jnp.int32, (nblk, nblk), 0)
    cb = lax.broadcasted_iota(jnp.int32, (nblk, nblk), 1)
    tnb = (rb > cb).astype(jnp.bfloat16)
    offs = jnp.dot(tnb, sums.astype(jnp.bfloat16),
                   preferred_element_type=jnp.float32)

    counts = jnp.sum(oh, axis=0, keepdims=True)
    pc = jnp.ceil(counts / TILE) * TILE
    fe_r = lax.broadcasted_iota(jnp.int32, (e, e), 0)
    fe_c = lax.broadcasted_iota(jnp.int32, (e, e), 1)
    upper = (fe_r < fe_c).astype(jnp.bfloat16)
    po = jnp.dot(pc.astype(jnp.bfloat16), upper,
                 preferred_element_type=jnp.float32)

    rank_excl = within - oh3 + offs[:, None, :]
    dest3 = jnp.sum(oh3 * (rank_excl + po.reshape(1, 1, e)),
                    axis=2)
    dest_ref[...] = dest3.astype(jnp.int32)

    ends_t = jnp.transpose(po + pc)
    ntl = te_ref.shape[1]
    ti_iota = lax.broadcasted_iota(jnp.int32, (1, ntl), 1)
    tile_start = (ti_iota * TILE).astype(jnp.float32)
    raw = jnp.sum((ends_t <= tile_start).astype(jnp.int32), axis=0,
                  keepdims=True)
    del nroute
    te_ref[...] = raw


@functools.partial(jax.jit, static_argnums=(2,))
def _dispatch(xf, dest32, slots):
    t, h = xf.shape
    rows_per = t // _NW
    mesh = plsc.VectorSubcoreMesh(core_axis_name="c", subcore_axis_name="s")

    @functools.partial(
        pl.kernel, mesh=mesh,
        out_type=jax.ShapeDtypeStruct((slots, h), jnp.float32),
        scratch_types=[
            pltpu.VMEM((rows_per,), jnp.int32),
            pltpu.VMEM((rows_per,), jnp.int32),
            pltpu.VMEM((rows_per, h), jnp.float32),
            pltpu.SemaphoreType.DMA,
            pltpu.SemaphoreType.DMA,
        ],
    )
    def body(x_hbm, dest_hbm, xg_hbm, i0_v, i1_v, rows_v, sem0, sem1):
        wid = lax.axis_index("s") * 2 + lax.axis_index("c")
        base = wid * rows_per
        pltpu.sync_copy(
            dest_hbm.at[base // 128, pl.ds(lax.rem(base, 128), rows_per)],
            i0_v)
        pltpu.sync_copy(
            dest_hbm.at[(t + base) // 128,
                        pl.ds(lax.rem(t + base, 128), rows_per)],
            i1_v)
        pltpu.sync_copy(x_hbm.at[pl.ds(base, rows_per), :], rows_v)
        c0 = pltpu.async_copy(rows_v, xg_hbm.at[i0_v], sem0)
        c1 = pltpu.async_copy(rows_v, xg_hbm.at[i1_v], sem1)
        c0.wait()
        c1.wait()

    return body(xf, dest32)


def _gather2(outbuf, dest32, t):
    slots, h = outbuf.shape
    rows_per = t // _NW
    mesh = plsc.VectorSubcoreMesh(core_axis_name="c", subcore_axis_name="s")

    @functools.partial(
        pl.kernel, mesh=mesh,
        out_type=[jax.ShapeDtypeStruct((t, h), jnp.float32),
                  jax.ShapeDtypeStruct((t, h), jnp.float32)],
        scratch_types=[
            pltpu.VMEM((rows_per,), jnp.int32),
            pltpu.VMEM((rows_per,), jnp.int32),
            pltpu.VMEM((rows_per, h), jnp.float32),
            pltpu.VMEM((rows_per, h), jnp.float32),
            pltpu.SemaphoreType.DMA,
            pltpu.SemaphoreType.DMA,
        ],
    )
    def body(ob_hbm, dest_hbm, g0_hbm, g1_hbm,
             i0_v, i1_v, r0_v, r1_v, sem0, sem1):
        wid = lax.axis_index("s") * 2 + lax.axis_index("c")
        base = wid * rows_per
        pltpu.sync_copy(
            dest_hbm.at[base // 128, pl.ds(lax.rem(base, 128), rows_per)],
            i0_v)
        pltpu.sync_copy(
            dest_hbm.at[(t + base) // 128,
                        pl.ds(lax.rem(t + base, 128), rows_per)],
            i1_v)
        c0 = pltpu.async_copy(ob_hbm.at[i0_v], r0_v, sem0)
        c1 = pltpu.async_copy(ob_hbm.at[i1_v], r1_v, sem1)
        c0.wait()
        pltpu.sync_copy(r0_v, g0_hbm.at[pl.ds(base, rows_per), :])
        c1.wait()
        pltpu.sync_copy(r1_v, g1_hbm.at[pl.ds(base, rows_per), :])

    return body(outbuf, dest32)


def _expert_body(te_ref, xg_ref, wg_ref, wu_ref, wd_ref, out_ref):
    ti = pl.program_id(0)

    @pl.when(te_ref[ti] < 8)
    def _routed():
        xb = xg_ref[...].astype(jnp.bfloat16)
        wg = wg_ref[0].astype(jnp.bfloat16)
        wu = wu_ref[0].astype(jnp.bfloat16)
        wd = wd_ref[0].astype(jnp.bfloat16)
        g = jnp.dot(xb, wg, preferred_element_type=jnp.float32)
        u = jnp.dot(xb, wu, preferred_element_type=jnp.float32)
        h = ((g * jax.nn.sigmoid(g)) * u).astype(jnp.bfloat16)
        out_ref[...] = jnp.dot(h, wd, preferred_element_type=jnp.float32)


def _shared_body(x_ref, wgs_ref, wus_ref, wds_ref, out_ref):
    ic = pl.program_id(0)
    xb = x_ref[...].astype(jnp.bfloat16)
    g = jnp.dot(xb, wgs_ref[...].astype(jnp.bfloat16),
                preferred_element_type=jnp.float32)
    u = jnp.dot(xb, wus_ref[...].astype(jnp.bfloat16),
                preferred_element_type=jnp.float32)
    h = ((g * jax.nn.sigmoid(g)) * u).astype(jnp.bfloat16)
    part = jnp.dot(h, wds_ref[...].astype(jnp.bfloat16),
                   preferred_element_type=jnp.float32)

    @pl.when(ic == 0)
    def _first():
        out_ref[...] = part

    @pl.when(ic > 0)
    def _rest():
        out_ref[...] += part


def _combine_body(sh_ref, g0_ref, g1_ref, sc_ref, out_ref):
    s = sc_ref[...]
    out_ref[...] = (sh_ref[...] + s[:, 0:1] * g0_ref[...]
                    + s[:, 1:2] * g1_ref[...])


def kernel(x, W_router, routing_bias, Wg_s, Wu_s, Wd_s, Wg, Wu, Wd):
    b, s_, h = x.shape
    t = b * s_
    e = Wg.shape[0]
    i = Wg.shape[2]
    xf = x.reshape(t, h)
    ntiles = -((-2 * t) // TILE) + e
    slots = ntiles * TILE
    nb = (2 * t) // 128
    ntl = max(32, ntiles)

    scores, dest32, te = pl.pallas_call(
        functools.partial(_meta_body, ntiles),
        out_shape=[
            jax.ShapeDtypeStruct((t, 2), jnp.float32),
            jax.ShapeDtypeStruct((nb, 128), jnp.int32),
            jax.ShapeDtypeStruct((1, ntl), jnp.int32),
        ],
    )(xf, W_router, routing_bias.reshape(1, e))

    te1 = te.reshape(ntl)

    n_ic = 3 if i % 3 == 0 else 1
    iblk = i // n_ic

    xg = _dispatch(xf, dest32, slots)

    shared = pl.pallas_call(
        _shared_body,
        grid=(n_ic,),
        in_specs=[
            pl.BlockSpec((t, h), lambda ic: (0, 0)),
            pl.BlockSpec((h, iblk), lambda ic: (0, ic)),
            pl.BlockSpec((h, iblk), lambda ic: (0, ic)),
            pl.BlockSpec((iblk, h), lambda ic: (ic, 0)),
        ],
        out_specs=pl.BlockSpec((t, h), lambda ic: (0, 0)),
        out_shape=jax.ShapeDtypeStruct((t, h), jnp.float32),
        compiler_params=pltpu.CompilerParams(
            dimension_semantics=("arbitrary",)),
    )(xf, Wg_s, Wu_s, Wd_s)

    grid_spec = pltpu.PrefetchScalarGridSpec(
        num_scalar_prefetch=1,
        grid=(ntiles,),
        in_specs=[
            pl.BlockSpec((TILE, h), lambda ti, te_r: (ti, 0)),
            pl.BlockSpec((1, h, i),
                         lambda ti, te_r: (jnp.minimum(te_r[ti], 7), 0, 0)),
            pl.BlockSpec((1, h, i),
                         lambda ti, te_r: (jnp.minimum(te_r[ti], 7), 0, 0)),
            pl.BlockSpec((1, i, h),
                         lambda ti, te_r: (jnp.minimum(te_r[ti], 7), 0, 0)),
        ],
        out_specs=pl.BlockSpec((TILE, h), lambda ti, te_r: (ti, 0)),
    )
    outbuf = pl.pallas_call(
        _expert_body,
        grid_spec=grid_spec,
        out_shape=jax.ShapeDtypeStruct((slots, h), jnp.float32),
        compiler_params=pltpu.CompilerParams(
            dimension_semantics=("arbitrary",)),
    )(te1, xg, Wg, Wu, Wd)

    g0, g1 = _gather2(outbuf, dest32, t)

    tb = t // 4
    out = pl.pallas_call(
        _combine_body,
        grid=(4,),
        in_specs=[
            pl.BlockSpec((tb, h), lambda tbi: (tbi, 0)),
            pl.BlockSpec((tb, h), lambda tbi: (tbi, 0)),
            pl.BlockSpec((tb, h), lambda tbi: (tbi, 0)),
            pl.BlockSpec((tb, 2), lambda tbi: (tbi, 0)),
        ],
        out_specs=pl.BlockSpec((tb, h), lambda tbi: (tbi, 0)),
        out_shape=jax.ShapeDtypeStruct((t, h), jnp.float32),
        compiler_params=pltpu.CompilerParams(
            dimension_semantics=("arbitrary",)),
    )(shared, g0, g1, scores)

    return out.reshape(b, s_, h)

# --- scband reference (transcript-rebuilt; emitter-appended) ---
"""Pipeline reference for scband-deep-seek-mo-e-82059645157465 (READ-ONLY COPY).

The authoritative reference and input builder live on the scoring server;
editing this copy changes nothing except your own understanding.
"""

import jax, jax.numpy as jnp
import numpy as np

B, S, H, I = 1, 2048, 768, 1536
E, TOPK, NSHARED = 8, 2, 1


def setup_inputs(seed: int = 0) -> dict:
    key = jax.random.key(seed)
    ks = jax.random.split(key, 9)
    x = jax.random.normal(ks[0], (B, S, H), dtype=jnp.float32)
    W_router = jax.random.normal(ks[1], (H, E), dtype=jnp.float32) * 0.02
    routing_bias = jax.random.normal(ks[2], (E,), dtype=jnp.float32) * 0.1
    Wg_s = jax.random.normal(ks[3], (H, I), dtype=jnp.float32) * 0.02
    Wu_s = jax.random.normal(ks[4], (H, I), dtype=jnp.float32) * 0.02
    Wd_s = jax.random.normal(ks[5], (I, H), dtype=jnp.float32) * 0.02
    Wg = jax.random.normal(ks[6], (E, H, I), dtype=jnp.float32) * 0.02
    Wu = jax.random.normal(ks[7], (E, H, I), dtype=jnp.float32) * 0.02
    Wd = jax.random.normal(ks[8], (E, I, H), dtype=jnp.float32) * 0.02
    return {"x": x, "W_router": W_router, "routing_bias": routing_bias,
            "Wg_s": Wg_s, "Wu_s": Wu_s, "Wd_s": Wd_s,
            "Wg": Wg, "Wu": Wu, "Wd": Wd}


def reference(x, W_router, routing_bias, Wg_s, Wu_s, Wd_s, Wg, Wu, Wd):
    b, s, h = x.shape
    xf = x.reshape(-1, h)
    # shared experts (NSHARED=1), averaged
    shared = (jax.nn.silu(xf @ Wg_s) * (xf @ Wu_s)) @ Wd_s
    shared = shared / NSHARED
    # router: logits = linear(x) * routing_bias (elementwise, as in source)
    routing_logits = (xf @ W_router) * routing_bias
    routing_probs = jax.nn.sigmoid(routing_logits)
    scores, indices = jax.lax.top_k(routing_probs, TOPK)
    scores = scores / jnp.sum(scores, axis=-1, keepdims=True)
    # dense per-expert MLP over all tokens (same math as masked dispatch)
    gate = jax.nn.silu(jnp.einsum('th,ehi->tei', xf, Wg))
    up = jnp.einsum('th,ehi->tei', xf, Wu)
    out_all = jnp.einsum('tei,eih->teh', gate * up, Wd)
    # combine weights: w[t,e] = sum_k scores[t,k] * (indices[t,k]==e)
    onehot = jax.nn.one_hot(indices, E, dtype=xf.dtype)  # [T, TOPK, E]
    w = jnp.einsum('tk,tke->te', scores, onehot)
    combined = jnp.einsum('te,teh->th', w, out_all)
    final = (shared + combined).reshape(b, s, h)
    return final

if __name__ == "__main__":
    import jax
    _d = setup_inputs()
    print(jax.jit(kernel)(*tuple(_d.values())))

</pallas_src>

<mosaic_0001>
#map = affine_map<(d0, d1) -> (0, 0)>
module attributes {stable_mosaic.version = 14 : i64} {
  func.func @body(%arg0: i32, %arg1: i32, %arg2: memref<2048x768xf32, #tpu.memory_space<hbm>>, %arg3: memref<32x128xi32, #tpu.memory_space<hbm>>, %arg4: memref<8192x768xf32, #tpu.memory_space<hbm>>, %arg5: memref<64xi32, #tpu.memory_space<vmem>>, %arg6: memref<64xi32, #tpu.memory_space<vmem>>, %arg7: memref<64x768xf32, #tpu.memory_space<vmem>>, %arg8: memref<!tpu.dma_semaphore, #tpu.memory_space<semaphore_mem>>, %arg9: memref<!tpu.dma_semaphore, #tpu.memory_space<semaphore_mem>>) attributes {dimension_semantics = [#tpu.dimension_semantics<core_parallel>, #tpu.dimension_semantics<subcore_parallel>], iteration_bounds = array<i64: 2, 16>, scalar_prefetch = 0 : i64, scratch_operands = 5 : i64, tpu.core_type = #tpu.core_type<sc_vector_subcore>, window_params = [{transform_indices = #map}, {transform_indices = #map}, {transform_indices = #map}]} {
    %mul3A = arith.constant 2 : i32
    %mul3A_0 = arith.muli %arg1, %mul3A : i32
    %add3A = arith.addi %mul3A_0, %arg0 : i32
    %mul3A_1 = arith.constant 64 : i32
    %mul3A_2 = arith.muli %add3A, %mul3A_1 : i32
    %jit3A = arith.constant 128 : i32
    %div3A = arith.divsi %mul3A_2, %jit3A : i32
    %sign3A = arith.constant 0 : i32
    %sign3A_3 = arith.cmpi sgt, %mul3A_2, %sign3A : i32
    %sign3A_4 = arith.extui %sign3A_3 : i1 to i32
    %sign3A_5 = arith.constant 0 : i32
    %sign3A_6 = arith.cmpi slt, %mul3A_2, %sign3A_5 : i32
    %sign3A_7 = arith.extui %sign3A_6 : i1 to i32
    %sign3A_8 = arith.subi %sign3A_4, %sign3A_7 : i32
    %sign3A_9 = arith.constant 0 : i32
    %sign3A_10 = arith.cmpi sgt, %jit3A, %sign3A_9 : i32
    %sign3A_11 = arith.extui %sign3A_10 : i1 to i32
    %sign3A_12 = arith.constant 0 : i32
    %sign3A_13 = arith.cmpi slt, %jit3A, %sign3A_12 : i32
    %sign3A_14 = arith.extui %sign3A_13 : i1 to i32
    %sign3A_15 = arith.subi %sign3A_11, %sign3A_14 : i32
    %ne3A = arith.cmpi ne, %sign3A_8, %sign3A_15 : i32
    %rem3A = arith.remsi %mul3A_2, %jit3A : i32
    %ne3A_16 = arith.constant 0 : i32
    %ne3A_17 = arith.cmpi ne, %rem3A, %ne3A_16 : i32
    %and3A = arith.andi %ne3A, %ne3A_17 : i1
    %sub3A = arith.constant 1 : i32
    %sub3A_18 = arith.subi %div3A, %sub3A : i32
    %select_n3A = arith.select %and3A, %sub3A_18, %div3A : i32
    %rem3A_19 = arith.constant 128 : i32
    %rem3A_20 = arith.remsi %mul3A_2, %rem3A_19 : i32
    "tpu.region"() ({
      %run_scoped3A = tpu.sem_alloc : memref<!tpu.dma_semaphore, #tpu.memory_space<semaphore_mem>>
      %dma_start3A_61 = tpu.memref_slice %arg3[%select_n3A, %rem3A_20] : memref<32x128xi32, #tpu.memory_space<hbm>> -> memref<1x64xi32, #tpu.memory_space<hbm>>
      %dma_start3A_62 = tpu.memref_squeeze %dma_start3A_61 : memref<1x64xi32, #tpu.memory_space<hbm>> -> memref<64xi32, #tpu.memory_space<hbm>>
      %dma_start3A_63 = tpu.memref_slice %arg3[%select_n3A, %rem3A_20] : memref<32x128xi32, #tpu.memory_space<hbm>> -> memref<1x64xi32, #tpu.memory_space<hbm>>
      %dma_start3A_64 = tpu.memref_squeeze %dma_start3A_63 : memref<1x64xi32, #tpu.memory_space<hbm>> -> memref<64xi32, #tpu.memory_space<hbm>>
      tpu.enqueue_dma source(%dma_start3A_64 : memref<64xi32, #tpu.memory_space<hbm>>) target(%arg5 : memref<64xi32, #tpu.memory_space<vmem>>) target_semaphore(%run_scoped3A : memref<!tpu.dma_semaphore, #tpu.memory_space<semaphore_mem>>)
      %dma_wait3A_65 = tpu.memref_slice %arg3[%select_n3A, %rem3A_20] : memref<32x128xi32, #tpu.memory_space<hbm>> -> memref<1x64xi32, #tpu.memory_space<hbm>>
      %dma_wait3A_66 = tpu.memref_squeeze %dma_wait3A_65 : memref<1x64xi32, #tpu.memory_space<hbm>> -> memref<64xi32, #tpu.memory_space<hbm>>
      %dma_wait3A_67 = tpu.memref_slice %arg3[%select_n3A, %rem3A_20] : memref<32x128xi32, #tpu.memory_space<hbm>> -> memref<1x64xi32, #tpu.memory_space<hbm>>
      %dma_wait3A_68 = tpu.memref_squeeze %dma_wait3A_67 : memref<1x64xi32, #tpu.memory_space<hbm>> -> memref<64xi32, #tpu.memory_space<hbm>>
      tpu.wait_dma2 semaphore(%run_scoped3A : memref<!tpu.dma_semaphore, #tpu.memory_space<semaphore_mem>>) src(%dma_wait3A_68 : memref<64xi32, #tpu.memory_space<hbm>>) dst(%arg5 : memref<64xi32, #tpu.memory_space<vmem>>)
      tpu.yield
    }) : () -> ()
    %add3A_21 = arith.constant 2048 : i32
    %add3A_22 = arith.addi %add3A_21, %mul3A_2 : i32
    %jit3A_23 = arith.constant 128 : i32
    %div3A_24 = arith.divsi %add3A_22, %jit3A_23 : i32
    %sign3A_25 = arith.constant 0 : i32
    %sign3A_26 = arith.cmpi sgt, %add3A_22, %sign3A_25 : i32
    %sign3A_27 = arith.extui %sign3A_26 : i1 to i32
    %sign3A_28 = arith.constant 0 : i32
    %sign3A_29 = arith.cmpi slt, %add3A_22, %sign3A_28 : i32
    %sign3A_30 = arith.extui %sign3A_29 : i1 to i32
    %sign3A_31 = arith.subi %sign3A_27, %sign3A_30 : i32
    %sign3A_32 = arith.constant 0 : i32
    %sign3A_33 = arith.cmpi sgt, %jit3A_23, %sign3A_32 : i32
    %sign3A_34 = arith.extui %sign3A_33 : i1 to i32
    %sign3A_35 = arith.constant 0 : i32
    %sign3A_36 = arith.cmpi slt, %jit3A_23, %sign3A_35 : i32
    %sign3A_37 = arith.extui %sign3A_36 : i1 to i32
    %sign3A_38 = arith.subi %sign3A_34, %sign3A_37 : i32
    %ne3A_39 = arith.cmpi ne, %sign3A_31, %sign3A_38 : i32
    %rem3A_40 = arith.remsi %add3A_22, %jit3A_23 : i32
    %ne3A_41 = arith.constant 0 : i32
    %ne3A_42 = arith.cmpi ne, %rem3A_40, %ne3A_41 : i32
    %and3A_43 = arith.andi %ne3A_39, %ne3A_42 : i1
    %sub3A_44 = arith.constant 1 : i32
    %sub3A_45 = arith.subi %div3A_24, %sub3A_44 : i32
    %select_n3A_46 = arith.select %and3A_43, %sub3A_45, %div3A_24 : i32
    %add3A_47 = arith.constant 2048 : i32
    %add3A_48 = arith.addi %add3A_47, %mul3A_2 : i32
    %rem3A_49 = arith.constant 128 : i32
    %rem3A_50 = arith.remsi %add3A_48, %rem3A_49 : i32
    "tpu.region"() ({
      %run_scoped3A = tpu.sem_alloc : memref<!tpu.dma_semaphore, #tpu.memory_space<semaphore_mem>>
      %dma_start3A_61 = tpu.memref_slice %arg3[%select_n3A_46, %rem3A_50] : memref<32x128xi32, #tpu.memory_space<hbm>> -> memref<1x64xi32, #tpu.memory_space<hbm>>
      %dma_start3A_62 = tpu.memref_squeeze %dma_start3A_61 : memref<1x64xi32, #tpu.memory_space<hbm>> -> memref<64xi32, #tpu.memory_space<hbm>>
      %dma_start3A_63 = tpu.memref_slice %arg3[%select_n3A_46, %rem3A_50] : memref<32x128xi32, #tpu.memory_space<hbm>> -> memref<1x64xi32, #tpu.memory_space<hbm>>
      %dma_start3A_64 = tpu.memref_squeeze %dma_start3A_63 : memref<1x64xi32, #tpu.memory_space<hbm>> -> memref<64xi32, #tpu.memory_space<hbm>>
      tpu.enqueue_dma source(%dma_start3A_64 : memref<64xi32, #tpu.memory_space<hbm>>) target(%arg6 : memref<64xi32, #tpu.memory_space<vmem>>) target_semaphore(%run_scoped3A : memref<!tpu.dma_semaphore, #tpu.memory_space<semaphore_mem>>)
      %dma_wait3A_65 = tpu.memref_slice %arg3[%select_n3A_46, %rem3A_50] : memref<32x128xi32, #tpu.memory_space<hbm>> -> memref<1x64xi32, #tpu.memory_space<hbm>>
      %dma_wait3A_66 = tpu.memref_squeeze %dma_wait3A_65 : memref<1x64xi32, #tpu.memory_space<hbm>> -> memref<64xi32, #tpu.memory_space<hbm>>
      %dma_wait3A_67 = tpu.memref_slice %arg3[%select_n3A_46, %rem3A_50] : memref<32x128xi32, #tpu.memory_space<hbm>> -> memref<1x64xi32, #tpu.memory_space<hbm>>
      %dma_wait3A_68 = tpu.memref_squeeze %dma_wait3A_67 : memref<1x64xi32, #tpu.memory_space<hbm>> -> memref<64xi32, #tpu.memory_space<hbm>>
      tpu.wait_dma2 semaphore(%run_scoped3A : memref<!tpu.dma_semaphore, #tpu.memory_space<semaphore_mem>>) src(%dma_wait3A_68 : memref<64xi32, #tpu.memory_space<hbm>>) dst(%arg6 : memref<64xi32, #tpu.memory_space<vmem>>)
      tpu.yield
    }) : () -> ()
    "tpu.region"() ({
      %run_scoped3A = tpu.sem_alloc : memref<!tpu.dma_semaphore, #tpu.memory_space<semaphore_mem>>
      %dma_start3A_61 = arith.constant 0 : i32
      %dma_start3A_62 = tpu.memref_slice %arg2[%mul3A_2, %dma_start3A_61] : memref<2048x768xf32, #tpu.memory_space<hbm>> -> memref<64x768xf32, #tpu.memory_space<hbm>>
      %dma_start3A_63 = arith.constant 0 : i32
      %dma_start3A_64 = tpu.memref_slice %arg2[%mul3A_2, %dma_start3A_63] : memref<2048x768xf32, #tpu.memory_space<hbm>> -> memref<64x768xf32, #tpu.memory_space<hbm>>
      tpu.enqueue_dma source(%dma_start3A_64 : memref<64x768xf32, #tpu.memory_space<hbm>>) target(%arg7 : memref<64x768xf32, #tpu.memory_space<vmem>>) target_semaphore(%run_scoped3A : memref<!tpu.dma_semaphore, #tpu.memory_space<semaphore_mem>>)
      %dma_wait3A_65 = arith.constant 0 : i32
      %dma_wait3A_66 = tpu.memref_slice %arg2[%mul3A_2, %dma_wait3A_65] : memref<2048x768xf32, #tpu.memory_space<hbm>> -> memref<64x768xf32, #tpu.memory_space<hbm>>
      %dma_wait3A_67 = arith.constant 0 : i32
      %dma_wait3A_68 = tpu.memref_slice %arg2[%mul3A_2, %dma_wait3A_67] : memref<2048x768xf32, #tpu.memory_space<hbm>> -> memref<64x768xf32, #tpu.memory_space<hbm>>
      tpu.wait_dma2 semaphore(%run_scoped3A : memref<!tpu.dma_semaphore, #tpu.memory_space<semaphore_mem>>) src(%dma_wait3A_68 : memref<64x768xf32, #tpu.memory_space<hbm>>) dst(%arg7 : memref<64x768xf32, #tpu.memory_space<vmem>>)
      tpu.yield
    }) : () -> ()
    %dma_start3A = arith.constant 0 : i32
    %dma_start3A_51 = arith.constant 0 : i32
    %dma_start3A_52 = tpu.memref_slice %arg4[%dma_start3A, %dma_start3A_51] : memref<8192x768xf32, #tpu.memory_space<hbm>> -> memref<8192x768xf32, #tpu.memory_space<hbm>>
    tpu.enqueue_indirect_dma source(%arg7 : memref<64x768xf32, #tpu.memory_space<vmem>>) target(%dma_start3A_52 : memref<8192x768xf32, #tpu.memory_space<hbm>>) offsets(%arg5 : memref<64xi32, #tpu.memory_space<vmem>>) semaphore(%arg8 : memref<!tpu.dma_semaphore, #tpu.memory_space<semaphore_mem>>)
    %dma_start3A_53 = arith.constant 0 : i32
    %dma_start3A_54 = arith.constant 0 : i32
    %dma_start3A_55 = tpu.memref_slice %arg4[%dma_start3A_53, %dma_start3A_54] : memref<8192x768xf32, #tpu.memory_space<hbm>> -> memref<8192x768xf32, #tpu.memory_space<hbm>>
    tpu.enqueue_indirect_dma source(%arg7 : memref<64x768xf32, #tpu.memory_space<vmem>>) target(%dma_start3A_55 : memref<8192x768xf32, #tpu.memory_space<hbm>>) offsets(%arg6 : memref<64xi32, #tpu.memory_space<vmem>>) semaphore(%arg9 : memref<!tpu.dma_semaphore, #tpu.memory_space<semaphore_mem>>)
    %dma_wait3A = arith.constant 0 : i32
    %dma_wait3A_56 = arith.constant 0 : i32
    %dma_wait3A_57 = tpu.memref_slice %arg4[%dma_wait3A, %dma_wait3A_56] : memref<8192x768xf32, #tpu.memory_space<hbm>> -> memref<8192x768xf32, #tpu.memory_space<hbm>>
    tpu.wait_indirect_dma semaphore(%arg8 : memref<!tpu.dma_semaphore, #tpu.memory_space<semaphore_mem>>) src(%arg7 : memref<64x768xf32, #tpu.memory_space<vmem>>) dst(%dma_wait3A_57 : memref<8192x768xf32, #tpu.memory_space<hbm>>)
    %dma_wait3A_58 = arith.constant 0 : i32
    %dma_wait3A_59 = arith.constant 0 : i32
    %dma_wait3A_60 = tpu.memref_slice %arg4[%dma_wait3A_58, %dma_wait3A_59] : memref<8192x768xf32, #tpu.memory_space<hbm>> -> memref<8192x768xf32, #tpu.memory_space<hbm>>
    tpu.wait_indirect_dma semaphore(%arg9 : memref<!tpu.dma_semaphore, #tpu.memory_space<semaphore_mem>>) src(%arg7 : memref<64x768xf32, #tpu.memory_space<vmem>>) dst(%dma_wait3A_60 : memref<8192x768xf32, #tpu.memory_space<hbm>>)
    return
  }
}

</mosaic_0001>

<sc_bundles>
// kernel: _dispatch.3.cloned.1.call-start
scs
__scs_entry_jumppad:
0x0: {  	(pc) =	sbr.rel $0x88, $3  }
0x1: {  	(tag) =	ssettag $0x0;
	lr =	simm.s32 $0x1  }
0x2: {  	[smem:$0x3F9F] =	sst lr;
	_ =	strace $0xD0000000  }
0x3: {  	_ = 	snop  }
0x4: {  	_ = 	snop  }
0x5: {  	_ = 	snop  }
0x6: {  	_ = 	snop  }
0x7: {  	_ = 	snop  }
__scs_overlays_trampoline_lowered:
0x8: {  	[smem:$0x3FAE] =	sst s0  }
0x9: {  	[smem:$0x3FAF] =	sst s1  }
0xa: {  	[smem:$0x3FB0] =	sst s2  }
0xb: {  	[smem:$0x3FB1] =	sst s3  }
0xc: {  	[smem:$0x3FB2] =	sst s4  }
0xd: {  	[smem:$0x3FB3] =	sst s5  }
0xe: {  	[smem:$0x3FB4] =	sst s6  }
0xf: {  	[smem:$0x3FB5] =	sst s7  }
0x10: {  	[smem:$0x3FB6] =	sst s8  }
0x11: {  	[smem:$0x3FB7] =	sst s9;
	s0 =	simm.s32 @!p0 $0x0  }
0x12: {  	s1 =	sld [smem:$0x3F9D];
	s0 =	simm.s32 @p0 $0x1  }
0x13: {  	[smem:$0x3FB8] =	sst s0;
	s0 =	simm.s32 @!p1 $0x0  }
0x14: {  	s2 =	sld [smem:$0x3F9C];
	s0 =	simm.s32 @p1 $0x1  }
0x15: {  	[smem:$0x3FB9] =	sst s0;
	s0 =	simm.s32 @!p2 $0x0  }
0x16: {  	s3 =	sld [smem:$0x3FDB];
	s0 =	simm.s32 @p2 $0x1  }
0x17: {  	s4 =	simm.s32 $0x1BF5;
	[smem:$0x3FBB] =	sst s0  }
0x18: {  	s0 =	sld [smem:$0x3F9E];
	_ =	swait.ge [sflag:s4], $0x0  }
0x19: {  	s7 =	sld [smem:$0x3F9F]  }
0x1a: {  	s8 =	sadd.s32 $0xFFFFE003, lr  }
0x1b: {  	s9 =	sadd.s32 $0xFFFFFEF7, lr;
	s5 =	simm.s32 $0xFFFFFFFF;
	p2 =	slt.u32 s8, $0xFFFFF086  }
0x1c: {  	p1 =	slt.u32 s9, $0xF7A;
	s5 =	simm.s32 @!p2 $0x0  }
0x1d: {  	s5 =	simm.s32 @p1 $0x1;
	p0 =	seq.s32 s7, s2  }
0x1e: {  	s7 =	smul.u32 @!p0 $0xF7A, s2;
	p2 =	seq.s32 @!p0 s5, $0x0  }
0x1f: {  	s9 =	smul.u32 $0xF7A, s1;
	s8 =	simm.s32 @!p0 $0x1BF5;
	p2 =	por !p2, p0  }
0x20: {  	[sflag:s8] =	ssyncset.s32 @!p0 $0xFFFFF086;
	s6 =	sadd.s32 @!p0 s3, s7;
	s7 =	simm.s32 @!p0 $0x108  }
0x21: {  	s3 =	sadd.s32 s3, s9;
	s6 =	sadd.s32 @!p0 $0x88, s6;
	s7 =	simm.s32 @p2 $0x1082  }
0x22: {  	[simem:s7], [sflag:s8] =	dma.local @!p0 [hbm:s6], $0xF7A  }
0x23: {  	s9 =	sor.u32 $0xD0000000, s2;
	s6 =	simm.s32 $0x108;
	_ =	swait.ge @!p0 [sflag:s8], $0x0  }
0x24: {  	s3 =	sadd.s32 $0x88, s3;
	s6 =	simm.s32 @!p1 $0x1082;
	[sflag:s4] =	ssyncset.s32 $0xFFFFF086  }
0x25: {  	[simem:s6], [sflag:s4] =	dma.local [hbm:s3], $0xF7A  }
0x26: {  	[smem:$0x3F9F] =	sst s1;
	(tag) =	ssettag s2;
	_ =	strace s9  }
0x27: {  	s1 =	sld [smem:$0x3FAF]  }
0x28: {  	s2 =	sld [smem:$0x3FB0]  }
0x29: {  	s4 =	sld [smem:$0x3FB2]  }
0x2a: {  	p0 =	seq.s32 s5, $0x0;
	s5 =	sld [smem:$0x3FB3]  }
0x2b: {  	s6 =	sld [smem:$0x3FB4]  }
0x2c: {  	s7 =	sld [smem:$0x3FB5]  }
0x2d: {  	s3 =	simm.s32 $0x108;
	s8 =	sld [smem:$0x3FB6]  }
0x2e: {  	s3 =	simm.s32 @!p0 $0x1082;
	s9 =	sld [smem:$0x3FB7]  }
0x2f: {  	lr =	sadd.s32 s0, s3;
	s0 =	sld [smem:$0x3FAE]  }
0x30: {  	s3 =	sld [smem:$0x3FB1]  }
0x31: {  	[smem:$0x3FBA] =	sst s10  }
0x32: {  	s10 =	sld [smem:$0x3FB8];
	_ =	sdelay $0x3  }
0x33: {  	p0 =	seq.s32 s10, $0x1;
	s10 =	sld [smem:$0x3FBA];
	_ =	sdelay $0x3  }
0x34: {  	[smem:$0x3FBA] =	sst s10  }
0x35: {  	s10 =	sld [smem:$0x3FB9];
	_ =	sdelay $0x3  }
0x36: {  	p1 =	seq.s32 s10, $0x1;
	s10 =	sld [smem:$0x3FBA];
	_ =	sdelay $0x3  }
0x37: {  	[smem:$0x3FBA] =	sst s10  }
0x38: {  	s10 =	sld [smem:$0x3FBB]  }
0x39: {  	_ = 	snop;
	(pc) =	sbr.ind lr, $3  }
0x3a: {  	_ = 	snop  }
0x3b: {  	_ = 	snop  }
0x3c: {  	p2 =	seq.s32 s10, $0x1;
	s10 =	sld [smem:$0x3FBA]  }
0x3d: {  	_ =	shalt  }
0x3e: {  	_ =	shalt  }
0x3f: {  	_ =	shalt  }
0x40: {  	_ =	shalt  }
0x41: {  	_ =	shalt  }
0x42: {  	_ =	shalt  }
0x43: {  	_ =	shalt  }
0x44: {  	_ =	shalt  }
0x45: {  	_ =	shalt  }
0x46: {  	_ =	shalt  }
0x47: {  	_ =	shalt  }
0x48: {  	_ =	shalt  }
0x49: {  	_ =	shalt  }
0x4a: {  	_ =	shalt  }
0x4b: {  	_ =	shalt  }
0x4c: {  	_ =	shalt  }
0x4d: {  	_ =	shalt  }
0x4e: {  	_ =	shalt  }
0x4f: {  	_ =	shalt  }
0x50: {  	_ =	shalt  }
0x51: {  	_ =	shalt  }
0x52: {  	_ =	shalt  }
0x53: {  	_ =	shalt  }
0x54: {  	_ =	shalt  }
0x55: {  	_ =	shalt  }
0x56: {  	_ =	shalt  }
0x57: {  	_ =	shalt  }
0x58: {  	_ =	shalt  }
0x59: {  	_ =	shalt  }
0x5a: {  	_ =	shalt  }
0x5b: {  	_ =	shalt  }
0x5c: {  	_ =	shalt  }
0x5d: {  	_ =	shalt  }
0x5e: {  	_ =	shalt  }
0x5f: {  	_ =	shalt  }
0x60: {  	_ =	shalt  }
0x61: {  	_ =	shalt  }
0x62: {  	_ =	shalt  }
0x63: {  	_ =	shalt  }
0x64: {  	_ =	shalt  }
0x65: {  	_ =	shalt  }
0x66: {  	_ =	shalt  }
0x67: {  	_ =	shalt  }
0x68: {  	_ =	shalt  }
0x69: {  	_ =	shalt  }
0x6a: {  	_ =	shalt  }
0x6b: {  	_ =	shalt  }
0x6c: {  	_ =	shalt  }
0x6d: {  	_ =	shalt  }
0x6e: {  	_ =	shalt  }
0x6f: {  	_ =	shalt  }
0x70: {  	_ =	shalt  }
0x71: {  	_ =	shalt  }
0x72: {  	_ =	shalt  }
0x73: {  	_ =	shalt  }
0x74: {  	_ =	shalt  }
0x75: {  	_ =	shalt  }
0x76: {  	_ =	shalt  }
0x77: {  	_ =	shalt  }
0x78: {  	_ =	shalt  }
0x79: {  	_ =	shalt  }
0x7a: {  	_ =	shalt  }
0x7b: {  	_ =	shalt  }
0x7c: {  	_ =	shalt  }
0x7d: {  	_ =	shalt  }
0x7e: {  	_ =	shalt  }
0x7f: {  	_ =	shalt  }
0x80: {  	_ =	shalt  }
0x81: {  	_ =	shalt  }
0x82: {  	_ =	shalt  }
0x83: {  	_ =	shalt  }
0x84: {  	_ =	shalt  }
0x85: {  	_ =	shalt  }
0x86: {  	_ =	shalt  }
0x87: {  	_ =	shalt  }
.Lfunc_end0:
.L_simem_size_0:
called_computation_lowered:
.L_overlay_start_0:
0x88: {  	s2 =	sld [smem:$0x3FD9]  }
0x89: {  	s3 =	sld [smem:$0x3FFE];
	_ =	sdelay $0x1  }
0x8a: {  	s1 =	srdreg.scid  }
0x8b: {  	s0 =	sand.u32 $0x1, s1  }
0x8c: {  	s18 =	sshll.u32 s0, $0xA;
	s2 =	sadd.s32 s3, s2  }
0x8d: {  	s2 =	sadd.s32 s2, s18  }
0x8e: {  	[smem:$0x3FC6] =	sst s2  }
0x8f: {  	_ = 	snop  }
0x90: {  	s2 =	sld [smem:$0x3FC9]  }
0x91: {  	s19 =	sld [smem:$0x3FC8]  }
0x92: {  	s4 =	sld [smem:$0x3FD0];
	(tm) =	ssettm $0x1  }
0x93: {  	s5 =	sld [smem:$0x3FFB];
	_ =	sdelay $0x3  }
0x94: {  	_ =	strace s5  }
0x95: {  	s5 =	sld [smem:$0x3FFC];
	_ =	sdelay $0x3  }
0x96: {  	_ =	strace s5  }
0x97: {  	s5 =	sld [smem:$0x3FFD];
	_ =	sdelay $0x3  }
0x98: {  	_ =	strace s5  }
0x99: {  	_ =	strace $0x8FFFFFFF  }
0x9a: {  	s20 =	sld [smem:$0x3FDB];
	_ =	sdelay $0x1  }
0x9b: {  	s6 =	simm.s32 $_scs_section_size  }
0x9c: {  	s7 =	simm.s32 $_size__tile_overlayer_lowered;
	s8 =	simm.s32 $_tile_overlayer_lowered  }
0x9d: {  	s23 =	simm.s32 $0x1BFF;
	s22 =	sshll.u32 s8, $0x1;
	s5 =	sadd.s32 s6, s20  }
0x9e: {  	s9 =	simm.s32 $0x0;
	s21 =	sshll.u32 s7, $0x1;
	s7 =	sadd.s32 s22, s5  }
0x9f: {  	[timem:s9], [sflag:s23] =	dma.local [hbm:s7], s21  }
0xa0: {  	_ =	swait.ge [sflag:s23], s21  }
0xa1: {  	s6 =	ssub.s32 $0x0, s21;
	[sflag:s23] =	ssyncset.done $0x0  }
0xa2: {  	[sflag:s23] =	ssyncadd.s32 s6;
	_ =	sdelay $0x1  }
0xa3: {  	s24 =	simm.s32 $0x1B8B  }
0xa4: {  	_ =	swait.ge [sflag:s24], $0x1  }
0xa5: {  	[sflag:s24] =	ssyncset.done $0x0  }
0xa6: {  	s25 =	simm.s32 $0x1B8E;
	[sflag:s24] =	ssyncadd.s32 $0xFFFFFFFF  }
0xa7: {  	s26 =	simm.s32 $execute0_lowered;
	[smem:$0x3FD2] =	sst s25  }
0xa8: {  	s6 =	sshll.u32 s26, $0x1;
	_ =	strace $0x80000046;
	[dreg:$0x1] =	wrdreg $0xFFFFFFFF  }
0xa9: {  	s28 =	simm.s32 $_size_execute0_lowered;
	s5 =	sadd.s32 s5, s6;
	[dreg:$0x0] =	wrdreg $0x0  }
0xaa: {  	s6 =	sshll.u32 s28, $0x1;
	[dreg:$0x2] =	wrdreg s5  }
0xab: {  	[dreg:$0x3] =	wrdreg s6  }
0xac: {  	[dreg:$0x4] =	wrdreg $0xC0  }
0xad: {  	_ =	task [dreg:s9], $0x5FFFF  }
0xae: {  	[dreg:$0x1] =	wrdreg $0xFFFFFFFF  }
0xaf: {  	[dreg:$0x0] =	wrdreg $0x60  }
0xb0: {  	[dreg:$0x2] =	wrdreg s2  }
0xb1: {  	[dreg:$0x3] =	wrdreg s19  }
0xb2: {  	[dreg:$0x4] =	wrdreg s4  }
0xb3: {  	[dreg:$0x5] =	wrdreg $0x9  }
0xb4: {  	_ =	task.clear_ibuf [dreg:s9], $0x6FFFF;
	_ =	strace $0x90000046  }
0xb5: {  	s29 =	simm.s32 $0x9;
	_ =	strace $0x80000048  }
0xb6: {  	_ =	swait.ge [sflag:s29], $0x1  }
0xb7: {  	[sflag:s29] =	ssyncadd.s32 $0xFFFFFFFF  }
0xb8: {  	_ =	strace $0x90000048  }
0xb9: {  	_ =	sfence  }
0xba: {  	s30 =	sld [smem:$0x0];
	_ =	sdelay $0x2  }
0xbb: {  	s31 =	sshll.u32 s1, $0xD;
	s1 =	sshrl.u32 s1, $0x2  }
0xbc: {  	s3 =	sand.u32 $0x4000, s31;
	s1 =	sadd.s32 s1, s30  }
0xbd: {  	s0 =	sor.u32 s3, s0;
	s1 =	sshll.u32 s1, $0x11  }
0xbe: {  	s0 =	sor.u32 s1, s0  }
0xbf: {  	s0 =	sadd.s32 $0x8F2B, s0  }
0xc0: {  	[sflag:s0] =	ssyncadd.remote.s32 $0x1  }
0xc1: {  	_ =	sfence.sel $0xFFFF  }
0xc2: {  	[dreg:$0x0] =	wrdreg $0xFFFFFFFF;
	(pc) =	sbr.abs _section_cstart, $3  }
0xc3: {  	[dreg:$0x1] =	wrdreg $0xFFFFFFFF  }
0xc4: {  	_ =	task.clear_ibuf [dreg:s9], $0x2FFFF;
	_ =	strace $0x9FFFFFFF  }
0xc5: {  	(tm) =	ssettm $0x7FFFFFFF  }
tec
execute0_lowered:
.L_overlay_start_1:
0x0: {  	(tag) =	ssettag $0x1  }
0x1: {  	s0 =	srdreg.scid;
	s5 =	rddreg [dreg:$0x0]  }
0x2: {  	s8 =	stileid.u32;
	s6 =	rddreg [dreg:$0x1];
	s7 =	simm.s32 $0x1  }
0x3: {  	s2 =	rddreg [dreg:$0x2];
	s3 =	simm.s32 $0x0;
	s26 =	simm.s32 $0x80  }
0x4: {  	s9 =	simm.s32 $0x100;
	s10 =	simm.s32 $0x2;
	s13 =	simm.s32 $0x1900  }
0x5: {  	s14 =	simm.s32 $0x2100;
	s15 =	simm.s32 $0x2900;
	s16 =	simm.s32 $0x3100  }
0x6: {  	s17 =	simm.s32 $0x3900;
	s18 =	simm.s32 $0x4100;
	s0 =	sand.u32 $0x1, s0  }
0x7: {  	s19 =	simm.s32 $0x4900;
	s1 =	sshll.u32 s8, $0x7;
	s4 =	sshll.u32 s0, $0x6  }
0x8: {  	s20 =	simm.s32 $0x5100;
	s21 =	simm.s32 $0x5900;
	s1 =	sor.u32 s4, s1  }
0x9: {  	s22 =	simm.s32 $0x6100;
	p1 =	seq.s32 s0, $0x1;
	p0 =	seq.s32 s1, $0x0  }
0xa: {  	s23 =	simm.s32 $0x6900;
	s28 =	simm.s32 $0x8900;
	p0 =	por !p0, !p1  }
0xb: {  	s29 =	simm.s32 $0x9100;
	s30 =	simm.s32 $0x9900;
	p0 =	por !p0, !p0  }
0xc: {  	s31 =	simm.s32 $0xA100;
	[smem:$0x7FF] =	sst s3;
	s7 =	simm.s32 @!p0 $0x0  }
0xd: {  	_ =	strace $0x80000047;
	s0 =	ssub.s32 $0x2, s0;
	s7 =	ssub.s32 s8, s7  }
0xe: {  	[dreg:$0x7] =	wrdreg s26;
	s26 =	simm.s32 $0x8100;
	s7 =	sshll.u32 s7, $0x7  }
0xf: {  	s24 =	sshrl.u32 s0, $0x1;
	s1 =	sshrl.u32 s1, $0x3;
	s4 =	sor.u32 s4, s7  }
0x10: {  	s0 =	ssub.s32 s0, s24;
	s24 =	simm.s32 $0x7100;
	s4 =	sshrl.u32 s4, $0x3  }
0x11: {  	s8 =	simm.s32 $0x3;
	s7 =	smax.u32 s0, $0x1;
	s4 =	sadd.s32 s6, s4  }
0x12: {  	s6 =	sadd.s32 s1, s6;
	s1 =	smul.u32 $0x300, s1;
	[dreg:$0x4] =	wrdreg s4  }
0x13: {  	v2 =	vlaneseq.u32;
	s25 =	sadd.s32 $0x100, s6;
	s6 =	sadd.s32 $0x200, s2;
	s4 =	simm.s32 $0xB900  }
0x14: {  	vm0 =	vmmov $0xffff;
	v1 =	vshrl.u32 v2, $0x3;
	[dreg:$0x5] =	wrdreg s25;
	s1 =	sadd.s32 s5, s1;
	s5 =	sadd.s32 $0x100, s2  }
0x15: {  	v0 =	vand.u32 $0x7, v2;
	v2 =	vor.u32 $0x8, v2;
	v1 =	vmul.u32 $0x8, v1;
	s25 =	simm.s32 $0x7900;
	[dreg:$0x6] =	wrdreg s1;
	s1 =	simm.s32 $0xA900  }
.LBB2_1:
0x16: {  	s11 =	rddreg [dreg:$0x4]  }
0x17: {  	[tilespmem:s3], [sflag:$0x3] =	stream.linear.gather [hbm4b:s11+s3], $0x40, $0x38;
	[tilespmem:$0xC100] =	vst v63  }
0x18: {  	_ =	swait.ge [sflag:s8], $0x40  }
0x19: {  	s0 =	rddreg [dreg:$0x5];
	[sflag:s8] =	ssyncset.done $0x0  }
0x1a: {  	s12 =	rddreg [dreg:$0x7];
	[sflag:s8] =	ssyncadd.s32 $0xFFFFFFC0  }
0x1b: {  	[tilespmem:s12], [sflag:$0x3] =	stream.linear.gather [hbm4b:s0+s3], $0x40, $0x38;
	[tilespmem:$0xC100] =	vst v63  }
0x1c: {  	_ =	swait.ge [sflag:s8], $0x40  }
0x1d: {  	[sflag:s8] =	ssyncset.done $0x0  }
0x1e: {  	s0 =	rddreg [dreg:$0x6];
	[sflag:s8] =	ssyncadd.s32 $0xFFFFFFC0  }
0x1f: {  	[tilespmem:s9], [sflag:$0x3] =	stream.linear.gather [hbm4b:s0+s3], $0xC000, $0x38;
	[tilespmem:$0xC100] =	vst v63  }
0x20: {  	_ =	swait.ge [sflag:s8], $0xC000  }
0x21: {  	[sflag:s8] =	ssyncset.done $0x0  }
0x22: {  	[sflag:s8] =	ssyncadd.s32 $0xFFFF4000  }
0x23: {  	v3 =	vld [tilespmem:$0x0];
	_ =	sdelay $0x4  }
0x24: {  	v4 =	vshrl.u32 v3, $0x3  }
0x25: {  	v4 =	vmul.u32 $0x30, v4  }
0x26: {  	v3 =	vand.u32 $0x7, v3  }
0x27: {  	v3 =	vor.u32 v3, v4  }
0x28: {  	v4 =	vperm.xlane v3, v0;
	_ =	sdelay $0x1  }
0x29: {  	v4 =	vadd.s32 v1, v4;
	_ =	sdelay $0x3  }
0x2a: {  	v3 =	vperm.xlane v3, v2  }
0x2b: {  	[hbm4b:s2+s3] =	stream.indirect_vreg.scatter [tilespmem:s9], [sflag:$0x1], $0x80, v4, vm0, $0xb8;
	[tilespmem:$0xC100] =	vst v63  }
0x2c: {  	s11 =	simm.s32 $0x900;
	v3 =	vadd.s32 v1, v3  }
0x2d: {  	[hbm4b:s5+s3] =	stream.indirect_vreg.scatter [tilespmem:s11], [sflag:$0x1], $0x80, v4, vm0, $0xb8;
	[tilespmem:$0xC100] =	vst v63  }
0x2e: {  	s12 =	simm.s32 $0x1100  }
0x2f: {  	[hbm4b:s6+s3] =	stream.indirect_vreg.scatter [tilespmem:s12], [sflag:$0x1], $0x80, v4, vm0, $0xb8;
	[tilespmem:$0xC100] =	vst v63  }
0x30: {  	_ = 	snop  }
0x31: {  	[hbm4b:s2+s3] =	stream.indirect_vreg.scatter [tilespmem:s13], [sflag:$0x1], $0x80, v3, vm0, $0xb8;
	[tilespmem:$0xC100] =	vst v63  }
0x32: {  	_ = 	snop  }
0x33: {  	[hbm4b:s5+s3] =	stream.indirect_vreg.scatter [tilespmem:s14], [sflag:$0x1], $0x80, v3, vm0, $0xb8;
	[tilespmem:$0xC100] =	vst v63  }
0x34: {  	_ = 	snop  }
0x35: {  	[hbm4b:s6+s3] =	stream.indirect_vreg.scatter [tilespmem:s15], [sflag:$0x1], $0x80, v3, vm0, $0xb8;
	[tilespmem:$0xC100] =	vst v63  }
0x36: {  	v3 =	vld [tilespmem:$0x10];
	_ =	sdelay $0x4  }
0x37: {  	v57 =	vshrl.u32 v3, $0x3  }
0x38: {  	v4 =	vmul.u32 $0x30, v57  }
0x39: {  	v3 =	vand.u32 $0x7, v3  }
0x3a: {  	v3 =	vor.u32 v3, v4  }
0x3b: {  	v4 =	vperm.xlane v3, v0;
	_ =	sdelay $0x1  }
0x3c: {  	v4 =	vadd.s32 v1, v4;
	_ =	sdelay $0x3  }
0x3d: {  	v3 =	vperm.xlane v3, v2  }
0x3e: {  	[hbm4b:s2+s3] =	stream.indirect_vreg.scatter [tilespmem:s16], [sflag:$0x1], $0x80, v4, vm0, $0xb8;
	[tilespmem:$0xC100] =	vst v63  }
0x3f: {  	v3 =	vadd.s32 v1, v3  }
0x40: {  	[hbm4b:s5+s3] =	stream.indirect_vreg.scatter [tilespmem:s17], [sflag:$0x1], $0x80, v4, vm0, $0xb8;
	[tilespmem:$0xC100] =	vst v63  }
0x41: {  	_ = 	snop  }
0x42: {  	[hbm4b:s6+s3] =	stream.indirect_vreg.scatter [tilespmem:s18], [sflag:$0x1], $0x80, v4, vm0, $0xb8;
	[tilespmem:$0xC100] =	vst v63  }
0x43: {  	_ = 	snop  }
0x44: {  	[hbm4b:s2+s3] =	stream.indirect_vreg.scatter [tilespmem:s19], [sflag:$0x1], $0x80, v3, vm0, $0xb8;
	[tilespmem:$0xC100] =	vst v63  }
0x45: {  	_ = 	snop  }
0x46: {  	[hbm4b:s5+s3] =	stream.indirect_vreg.scatter [tilespmem:s20], [sflag:$0x1], $0x80, v3, vm0, $0xb8;
	[tilespmem:$0xC100] =	vst v63  }
0x47: {  	_ = 	snop  }
0x48: {  	[hbm4b:s6+s3] =	stream.indirect_vreg.scatter [tilespmem:s21], [sflag:$0x1], $0x80, v3, vm0, $0xb8;
	[tilespmem:$0xC100] =	vst v63  }
0x49: {  	v3 =	vld [tilespmem:$0x20];
	_ =	sdelay $0x4  }
0x4a: {  	v58 =	vshrl.u32 v3, $0x3  }
0x4b: {  	v4 =	vmul.u32 $0x30, v58  }
0x4c: {  	v3 =	vand.u32 $0x7, v3  }
0x4d: {  	v3 =	vor.u32 v3, v4  }
0x4e: {  	v4 =	vperm.xlane v3, v0;
	_ =	sdelay $0x1  }
0x4f: {  	v4 =	vadd.s32 v1, v4;
	_ =	sdelay $0x3  }
0x50: {  	v3 =	vperm.xlane v3, v2  }
0x51: {  	[hbm4b:s2+s3] =	stream.indirect_vreg.scatter [tilespmem:s22], [sflag:$0x1], $0x80, v4, vm0, $0xb8;
	[tilespmem:$0xC100] =	vst v63  }
0x52: {  	v3 =	vadd.s32 v1, v3  }
0x53: {  	[hbm4b:s5+s3] =	stream.indirect_vreg.scatter [tilespmem:s23], [sflag:$0x1], $0x80, v4, vm0, $0xb8;
	[tilespmem:$0xC100] =	vst v63  }
0x54: {  	_ = 	snop  }
0x55: {  	[hbm4b:s6+s3] =	stream.indirect_vreg.scatter [tilespmem:s24], [sflag:$0x1], $0x80, v4, vm0, $0xb8;
	[tilespmem:$0xC100] =	vst v63  }
0x56: {  	_ = 	snop  }
0x57: {  	[hbm4b:s2+s3] =	stream.indirect_vreg.scatter [tilespmem:s25], [sflag:$0x1], $0x80, v3, vm0, $0xb8;
	[tilespmem:$0xC100] =	vst v63  }
0x58: {  	_ = 	snop  }
0x59: {  	[hbm4b:s5+s3] =	stream.indirect_vreg.scatter [tilespmem:s26], [sflag:$0x1], $0x80, v3, vm0, $0xb8;
	[tilespmem:$0xC100] =	vst v63  }
0x5a: {  	_ = 	snop  }
0x5b: {  	[hbm4b:s6+s3] =	stream.indirect_vreg.scatter [tilespmem:s28], [sflag:$0x1], $0x80, v3, vm0, $0xb8;
	[tilespmem:$0xC100] =	vst v63  }
0x5c: {  	v3 =	vld [tilespmem:$0x30];
	_ =	sdelay $0x4  }
0x5d: {  	v59 =	vshrl.u32 v3, $0x3  }
0x5e: {  	v4 =	vmul.u32 $0x30, v59  }
0x5f: {  	v3 =	vand.u32 $0x7, v3  }
0x60: {  	v3 =	vor.u32 v3, v4  }
0x61: {  	v4 =	vperm.xlane v3, v0;
	_ =	sdelay $0x1  }
0x62: {  	v4 =	vadd.s32 v1, v4;
	_ =	sdelay $0x3  }
0x63: {  	v3 =	vperm.xlane v3, v2  }
0x64: {  	[hbm4b:s2+s3] =	stream.indirect_vreg.scatter [tilespmem:s29], [sflag:$0x1], $0x80, v4, vm0, $0xb8;
	[tilespmem:$0xC100] =	vst v63  }
0x65: {  	v3 =	vadd.s32 v1, v3  }
0x66: {  	[hbm4b:s5+s3] =	stream.indirect_vreg.scatter [tilespmem:s30], [sflag:$0x1], $0x80, v4, vm0, $0xb8;
	[tilespmem:$0xC100] =	vst v63  }
0x67: {  	_ = 	snop  }
0x68: {  	[hbm4b:s6+s3] =	stream.indirect_vreg.scatter [tilespmem:s31], [sflag:$0x1], $0x80, v4, vm0, $0xb8;
	[tilespmem:$0xC100] =	vst v63  }
0x69: {  	_ = 	snop  }
0x6a: {  	[hbm4b:s2+s3] =	stream.indirect_vreg.scatter [tilespmem:s1], [sflag:$0x1], $0x80, v3, vm0, $0xb8;
	[tilespmem:$0xC100] =	vst v63  }
0x6b: {  	s0 =	simm.s32 $0xB100  }
0x6c: {  	[hbm4b:s5+s3] =	stream.indirect_vreg.scatter [tilespmem:s0], [sflag:$0x1], $0x80, v3, vm0, $0xb8;
	[tilespmem:$0xC100] =	vst v63  }
0x6d: {  	_ = 	snop  }
0x6e: {  	[hbm4b:s6+s3] =	stream.indirect_vreg.scatter [tilespmem:s4], [sflag:$0x1], $0x80, v3, vm0, $0xb8;
	[tilespmem:$0xC100] =	vst v63  }
0x6f: {  	v3 =	vld [tilespmem:$0x80];
	_ =	sdelay $0x4  }
0x70: {  	v60 =	vshrl.u32 v3, $0x3  }
0x71: {  	v4 =	vmul.u32 $0x30, v60  }
0x72: {  	v3 =	vand.u32 $0x7, v3  }
0x73: {  	v3 =	vor.u32 v3, v4  }
0x74: {  	v4 =	vperm.xlane v3, v0;
	_ =	sdelay $0x1  }
0x75: {  	v4 =	vadd.s32 v1, v4;
	_ =	sdelay $0x3  }
0x76: {  	v3 =	vperm.xlane v3, v2  }
0x77: {  	[hbm4b:s2+s3] =	stream.indirect_vreg.scatter [tilespmem:s9], [sflag:$0x2], $0x80, v4, vm0, $0xb8;
	[tilespmem:$0xC100] =	vst v63  }
0x78: {  	v3 =	vadd.s32 v1, v3  }
0x79: {  	[hbm4b:s5+s3] =	stream.indirect_vreg.scatter [tilespmem:s11], [sflag:$0x2], $0x80, v4, vm0, $0xb8;
	[tilespmem:$0xC100] =	vst v63  }
0x7a: {  	_ = 	snop  }
0x7b: {  	[hbm4b:s6+s3] =	stream.indirect_vreg.scatter [tilespmem:s12], [sflag:$0x2], $0x80, v4, vm0, $0xb8;
	[tilespmem:$0xC100] =	vst v63  }
0x7c: {  	_ = 	snop  }
0x7d: {  	[hbm4b:s2+s3] =	stream.indirect_vreg.scatter [tilespmem:s13], [sflag:$0x2], $0x80, v3, vm0, $0xb8;
	[tilespmem:$0xC100] =	vst v63  }
0x7e: {  	_ = 	snop  }
0x7f: {  	[hbm4b:s5+s3] =	stream.indirect_vreg.scatter [tilespmem:s14], [sflag:$0x2], $0x80, v3, vm0, $0xb8;
	[tilespmem:$0xC100] =	vst v63  }
0x80: {  	_ = 	snop  }
0x81: {  	[hbm4b:s6+s3] =	stream.indirect_vreg.scatter [tilespmem:s15], [sflag:$0x2], $0x80, v3, vm0, $0xb8;
	[tilespmem:$0xC100] =	vst v63  }
0x82: {  	v3 =	vld [tilespmem:$0x90];
	_ =	sdelay $0x4  }
0x83: {  	v61 =	vshrl.u32 v3, $0x3  }
0x84: {  	v4 =	vmul.u32 $0x30, v61  }
0x85: {  	v3 =	vand.u32 $0x7, v3  }
0x86: {  	v3 =	vor.u32 v3, v4  }
0x87: {  	v4 =	vperm.xlane v3, v0;
	_ =	sdelay $0x1  }
0x88: {  	v4 =	vadd.s32 v1, v4;
	_ =	sdelay $0x3  }
0x89: {  	v3 =	vperm.xlane v3, v2  }
0x8a: {  	[hbm4b:s2+s3] =	stream.indirect_vreg.scatter [tilespmem:s16], [sflag:$0x2], $0x80, v4, vm0, $0xb8;
	[tilespmem:$0xC100] =	vst v63  }
0x8b: {  	v3 =	vadd.s32 v1, v3  }
0x8c: {  	[hbm4b:s5+s3] =	stream.indirect_vreg.scatter [tilespmem:s17], [sflag:$0x2], $0x80, v4, vm0, $0xb8;
	[tilespmem:$0xC100] =	vst v63  }
0x8d: {  	_ = 	snop  }
0x8e: {  	[hbm4b:s6+s3] =	stream.indirect_vreg.scatter [tilespmem:s18], [sflag:$0x2], $0x80, v4, vm0, $0xb8;
	[tilespmem:$0xC100] =	vst v63  }
0x8f: {  	_ = 	snop  }
0x90: {  	[hbm4b:s2+s3] =	stream.indirect_vreg.scatter [tilespmem:s19], [sflag:$0x2], $0x80, v3, vm0, $0xb8;
	[tilespmem:$0xC100] =	vst v63  }
0x91: {  	_ = 	snop  }
0x92: {  	[hbm4b:s5+s3] =	stream.indirect_vreg.scatter [tilespmem:s20], [sflag:$0x2], $0x80, v3, vm0, $0xb8;
	[tilespmem:$0xC100] =	vst v63  }
0x93: {  	_ = 	snop  }
0x94: {  	[hbm4b:s6+s3] =	stream.indirect_vreg.scatter [tilespmem:s21], [sflag:$0x2], $0x80, v3, vm0, $0xb8;
	[tilespmem:$0xC100] =	vst v63  }
0x95: {  	v3 =	vld [tilespmem:$0xA0];
	_ =	sdelay $0x4  }
0x96: {  	v62 =	vshrl.u32 v3, $0x3  }
0x97: {  	v4 =	vmul.u32 $0x30, v62  }
0x98: {  	v3 =	vand.u32 $0x7, v3  }
0x99: {  	v3 =	vor.u32 v3, v4  }
0x9a: {  	v4 =	vperm.xlane v3, v0;
	_ =	sdelay $0x1  }
0x9b: {  	v4 =	vadd.s32 v1, v4;
	_ =	sdelay $0x3  }
0x9c: {  	v3 =	vperm.xlane v3, v2  }
0x9d: {  	[hbm4b:s2+s3] =	stream.indirect_vreg.scatter [tilespmem:s22], [sflag:$0x2], $0x80, v4, vm0, $0xb8;
	[tilespmem:$0xC100] =	vst v63  }
0x9e: {  	v3 =	vadd.s32 v1, v3  }
0x9f: {  	[hbm4b:s5+s3] =	stream.indirect_vreg.scatter [tilespmem:s23], [sflag:$0x2], $0x80, v4, vm0, $0xb8;
	[tilespmem:$0xC100] =	vst v63  }
0xa0: {  	_ = 	snop  }
0xa1: {  	[hbm4b:s6+s3] =	stream.indirect_vreg.scatter [tilespmem:s24], [sflag:$0x2], $0x80, v4, vm0, $0xb8;
	[tilespmem:$0xC100] =	vst v63  }
0xa2: {  	_ = 	snop  }
0xa3: {  	[hbm4b:s2+s3] =	stream.indirect_vreg.scatter [tilespmem:s25], [sflag:$0x2], $0x80, v3, vm0, $0xb8;
	[tilespmem:$0xC100] =	vst v63  }
0xa4: {  	_ = 	snop  }
0xa5: {  	[hbm4b:s5+s3] =	stream.indirect_vreg.scatter [tilespmem:s26], [sflag:$0x2], $0x80, v3, vm0, $0xb8;
	[tilespmem:$0xC100] =	vst v63  }
0xa6: {  	_ = 	snop  }
0xa7: {  	[hbm4b:s6+s3] =	stream.indirect_vreg.scatter [tilespmem:s28], [sflag:$0x2], $0x80, v3, vm0, $0xb8;
	[tilespmem:$0xC100] =	vst v63  }
0xa8: {  	v3 =	vld [tilespmem:$0xB0];
	_ =	sdelay $0x4  }
0xa9: {  	v63 =	vshrl.u32 v3, $0x3  }
0xaa: {  	v4 =	vmul.u32 $0x30, v63  }
0xab: {  	v3 =	vand.u32 $0x7, v3  }
0xac: {  	v3 =	vor.u32 v3, v4  }
0xad: {  	v4 =	vperm.xlane v3, v0;
	_ =	sdelay $0x1  }
0xae: {  	v4 =	vadd.s32 v1, v4;
	_ =	sdelay $0x3  }
0xaf: {  	v3 =	vperm.xlane v3, v2  }
0xb0: {  	[hbm4b:s2+s3] =	stream.indirect_vreg.scatter [tilespmem:s29], [sflag:$0x2], $0x80, v4, vm0, $0xb8;
	[tilespmem:$0xC100] =	vst v63  }
0xb1: {  	v3 =	vadd.s32 v1, v3  }
0xb2: {  	[hbm4b:s5+s3] =	stream.indirect_vreg.scatter [tilespmem:s30], [sflag:$0x2], $0x80, v4, vm0, $0xb8;
	[tilespmem:$0xC100] =	vst v63  }
0xb3: {  	_ = 	snop  }
0xb4: {  	[hbm4b:s6+s3] =	stream.indirect_vreg.scatter [tilespmem:s31], [sflag:$0x2], $0x80, v4, vm0, $0xb8;
	[tilespmem:$0xC100] =	vst v63  }
0xb5: {  	_ = 	snop  }
0xb6: {  	[hbm4b:s2+s3] =	stream.indirect_vreg.scatter [tilespmem:s1], [sflag:$0x2], $0x80, v3, vm0, $0xb8;
	[tilespmem:$0xC100] =	vst v63  }
0xb7: {  	_ = 	snop  }
0xb8: {  	[hbm4b:s5+s3] =	stream.indirect_vreg.scatter [tilespmem:s0], [sflag:$0x2], $0x80, v3, vm0, $0xb8;
	[tilespmem:$0xC100] =	vst v63  }
0xb9: {  	s12 =	simm.s32 $0x1  }
0xba: {  	[hbm4b:s6+s3] =	stream.indirect_vreg.scatter [tilespmem:s4], [sflag:$0x2], $0x80, v3, vm0, $0xb8;
	[tilespmem:$0xC100] =	vst v63  }
0xbb: {  	p0 =	sne.s32 s7, $0x1;
	_ =	swait.ge [sflag:s12], $0xC000  }
.Ltmp0:
0xbc: {  	[sflag:s12] =	ssyncset.done $0x0;
	(pc) =	sbr.rel @p0 .LBB2_1-.Ltmp0, $4  }
0xbd: {  	[sflag:s12] =	ssyncadd.s32 $0xFFFF4000  }
0xbe: {  	_ =	swait.ge [sflag:s10], $0xC000  }
0xbf: {  	[sflag:s10] =	ssyncset.done $0x0  }
0xc0: {  	s7 =	sadd.s32 $0xFFFFFFFF, s7;
	[sflag:s10] =	ssyncadd.s32 $0xFFFF4000  }
0xc1: {  	_ =	sfence.sel $0x180000  }
0xc2: {  	[bflag:$0x0] =	sbarrier.arrive $0xFFFF  }
0xc3: {  	_ =	strace $0x90000047  }
0xc4: {  	s0 =	stileid.u32;
	[bflag:$0x2] =	sbarrier.arrive $0xFFFF  }
0xc5: {  	p0 =	sne.s32 s0, $0x0;
	s0 =	rddreg [dreg:$0x3]  }
0xc6: {  	s0 =	sadd.s32 @!p0 $0x100000, s0  }
0xc7: {  	[sflag:s0] =	ssyncadd.tile.s32 @!p0 $0x1;
	_ =	shalt  }
.Lfunc_end2:
_tile_overlayer_lowered:
.L_overlay_start_2:
0xc8: {  	(tag) =	ssettag $0x2  }
0xc9: {  	s0 =	rddreg [dreg:$0x0];
	s2 =	stileid.u32  }
0xca: {  	s1 =	rddreg [dreg:$0x1];
	p0 =	sne.s32 s2, $0x0  }
0xcb: {  	s3 =	rddreg [dreg:$0x2];
	[bflag:$0x3] =	sbarrier.arrive $0xFFFF;
	s2 =	simm.s32 @!p0 $0x1C03  }
0xcc: {  	[timem:s3], [sflag:s2] =	dma.local @!p0 [hbm:s0], s1  }
0xcd: {  	s0 =	simm.s32 @!p0 $0x3  }
0xce: {  	_ =	swait.ge @!p0 [sflag:s0], s1  }
0xcf: {  	s1 =	ssub.s32 @!p0 $0x0, s1;
	[sflag:s0] =	ssyncset.done @!p0 $0x0  }
0xd0: {  	[sflag:s0] =	ssyncadd.s32 @!p0 s1  }
0xd1: {  	[bflag:$0x3] =	sbarrier.arrive $0xFFFF  }
0xd2: {  	_ =	shalt  }

</sc_bundles>
